<compile_context>
chip_gen: v7x
topology: tpu7x:2x2x1
jax: 0.10.2.dev20260603
libtpu: 0.0.44.dev20260713+nightly
codegen_flags: <defaults>
</compile_context>

<pallas_src>
import functools

import jax
import jax.numpy as jnp
from jax import lax
from jax.experimental import pallas as pl
from jax.experimental.pallas import tpu as pltpu
from jax.experimental.pallas import tpu_sc as plsc

PROG = (3, 5, 7, 1, 4, 2, 6, 0)

_NC = 2
_NS = 16
_NW = _NC * _NS


def _chunk_width(per_w: int) -> int:
    for cw in range(128, 0, -8):
        if per_w % cw == 0:
            return cw
    raise ValueError(f"no valid chunk width for {per_w}")


def _make_gather(rows: int, vocab: int, hid: int):
    per_w = rows // _NW
    cw = _chunk_width(per_w)
    chunks = per_w // cw

    mesh = plsc.VectorSubcoreMesh(
        core_axis_name="c", subcore_axis_name="s", num_cores=_NC
    )

    @functools.partial(
        pl.kernel,
        mesh=mesh,
        out_type=jax.ShapeDtypeStruct((_NW, chunks, cw, hid), jnp.float32),
        scratch_types=[
            pltpu.VMEM((chunks, cw), jnp.int32),
            pltpu.VMEM((cw, hid), jnp.float32),
            pltpu.VMEM_SHARED((vocab, hid), jnp.float32),
            pltpu.SemaphoreType.DMA,
        ],
    )
    def gather(tok_hbm, embed_hbm, out_hbm, idx_v, rows_v, emb_s, sem):
        sid = lax.axis_index("s")
        wid = sid * _NC + lax.axis_index("c")
        @pl.when(sid == 0)
        def _():
            pltpu.sync_copy(embed_hbm, emb_s)

        pltpu.sync_copy(tok_hbm.at[wid], idx_v)
        plsc.subcore_barrier()

        def body(j, carry):
            pltpu.async_copy(emb_s.at[idx_v.at[j]], rows_v, sem).wait()
            pltpu.sync_copy(rows_v, out_hbm.at[wid, j])
            return carry

        lax.fori_loop(0, chunks, body, 0, unroll=False)

    return gather, (chunks, cw)


def _logits_body(out_ref):
    bt, v, b = out_ref.shape
    t0 = pl.program_id(0) * bt
    out_ref[...] = jnp.full((bt, v, b), -1000000000.0, jnp.float32)
    for i in range(bt):
        tm = lax.rem(t0 + i, 8)
        tgt = jnp.int32(PROG[0])
        for k in range(1, 8):
            tgt = jnp.where(tm == k, jnp.int32(PROG[k]), tgt)
        out_ref[i, pl.ds(tgt, 1), :] = jnp.full((1, b), 1.0, jnp.float32)


def _make_logits(b: int, t: int, v: int, bt: int = 1):
    return pl.pallas_call(
        _logits_body,
        grid=(t // bt,),
        out_specs=pl.BlockSpec((bt, v, b), lambda i: (i, 0, 0)),
        out_shape=jax.ShapeDtypeStruct((t, v, b), jnp.float32),
    )


def kernel(tokens, embed):
    b, t = tokens.shape
    vocab, hid = embed.shape
    rows = b * t

    gather, (chunks, cw) = _make_gather(rows, vocab, hid)
    tok = tokens.astype(jnp.int32).T.reshape(_NW, chunks, cw)
    h = gather(tok, embed).reshape(t, b, hid).transpose(1, 0, 2)

    logits = _make_logits(b, t, vocab)().transpose(2, 0, 1)
    return h, logits

# --- scband reference (transcript-rebuilt; emitter-appended) ---
"""Pipeline reference for scband-mock-base-lm-76828374991638 (READ-ONLY COPY).

The authoritative reference and input builder live on the scoring server;
editing this copy changes nothing except your own understanding.
"""

import jax, jax.numpy as jnp
import numpy as np

VOCAB = 1000
HIDDEN = 128
PROGRAMMED = jnp.array([3, 5, 7, 1, 4, 2, 6, 0], dtype=jnp.int32)


def setup_inputs(seed: int = 0) -> dict:
    key = jax.random.key(seed)
    k_tok, k_emb = jax.random.split(key)
    tokens = jax.random.randint(k_tok, (1024, 50), 0, VOCAB, dtype=jnp.int64)
    embed = jax.random.normal(k_emb, (VOCAB, HIDDEN), dtype=jnp.float32)
    return {"tokens": tokens, "embed": embed}


def reference(tokens, embed):
    b, t = tokens.shape
    # Embedding lookup (gather)
    h = jnp.take(embed, tokens, axis=0)  # [b, t, HIDDEN]
    # Programmed logits: -1e9 everywhere except the programmed target per position
    targets = PROGRAMMED[jnp.arange(t) % PROGRAMMED.shape[0]]  # [t]
    logits = jnp.full((b, t, VOCAB), -1000000000.0, dtype=jnp.float32)
    logits = logits.at[:, jnp.arange(t), targets].set(1.0)
    return h, logits

if __name__ == "__main__":
    import jax
    _d = setup_inputs()
    print(jax.jit(kernel)(*tuple(_d.values())))

</pallas_src>

<mosaic_0001>
#map = affine_map<(d0, d1) -> (0, 0, 0)>
#map1 = affine_map<(d0, d1) -> (0, 0)>
#map2 = affine_map<(d0, d1) -> (0, 0, 0, 0)>
module attributes {stable_mosaic.version = 14 : i64} {
  func.func @gather(%arg0: i32, %arg1: i32, %arg2: memref<32x20x80xi32, #tpu.memory_space<hbm>>, %arg3: memref<1000x128xf32, #tpu.memory_space<hbm>>, %arg4: memref<32x20x80x128xf32, #tpu.memory_space<hbm>>, %arg5: memref<20x80xi32, #tpu.memory_space<vmem>>, %arg6: memref<80x128xf32, #tpu.memory_space<vmem>>, %arg7: memref<1000x128xf32, #tpu.memory_space<vmem_shared>>, %arg8: memref<!tpu.dma_semaphore, #tpu.memory_space<semaphore_mem>>) attributes {dimension_semantics = [#tpu.dimension_semantics<core_parallel>, #tpu.dimension_semantics<subcore_parallel>], iteration_bounds = array<i64: 2, 16>, scalar_prefetch = 0 : i64, scratch_operands = 4 : i64, tpu.core_type = #tpu.core_type<sc_vector_subcore>, window_params = [{transform_indices = #map}, {transform_indices = #map1}, {transform_indices = #map2}]} {
    %mul3A = arith.constant 2 : i32
    %mul3A_0 = arith.muli %arg1, %mul3A : i32
    %add3A = arith.addi %mul3A_0, %arg0 : i32
    %eq3A = arith.constant 0 : i32
    %eq3A_1 = arith.cmpi eq, %arg1, %eq3A : i32
    %convert_element_type3A = arith.extui %eq3A_1 : i1 to i32
    %cond3A = arith.constant 0 : i32
    %cond3A_2 = arith.cmpi ne, %convert_element_type3A, %cond3A : i32
    scf.if %cond3A_2 {
      "tpu.region"() ({
        %run_scoped3A = tpu.sem_alloc : memref<!tpu.dma_semaphore, #tpu.memory_space<semaphore_mem>>
        tpu.enqueue_dma source(%arg3 : memref<1000x128xf32, #tpu.memory_space<hbm>>) target(%arg7 : memref<1000x128xf32, #tpu.memory_space<vmem_shared>>) target_semaphore(%run_scoped3A : memref<!tpu.dma_semaphore, #tpu.memory_space<semaphore_mem>>)
        tpu.wait_dma2 semaphore(%run_scoped3A : memref<!tpu.dma_semaphore, #tpu.memory_space<semaphore_mem>>) src(%arg3 : memref<1000x128xf32, #tpu.memory_space<hbm>>) dst(%arg7 : memref<1000x128xf32, #tpu.memory_space<vmem_shared>>)
        tpu.yield
      }) : () -> ()
    } else {
    }
    "tpu.region"() ({
      %run_scoped3A = tpu.sem_alloc : memref<!tpu.dma_semaphore, #tpu.memory_space<semaphore_mem>>
      %dma_start3A = arith.constant 0 : i32
      %dma_start3A_8 = arith.constant 0 : i32
      %dma_start3A_9 = tpu.memref_slice %arg2[%add3A, %dma_start3A, %dma_start3A_8] : memref<32x20x80xi32, #tpu.memory_space<hbm>> -> memref<1x20x80xi32, #tpu.memory_space<hbm>>
      %dma_start3A_10 = tpu.memref_squeeze %dma_start3A_9 : memref<1x20x80xi32, #tpu.memory_space<hbm>> -> memref<20x80xi32, #tpu.memory_space<hbm>>
      %dma_start3A_11 = arith.constant 0 : i32
      %dma_start3A_12 = arith.constant 0 : i32
      %dma_start3A_13 = tpu.memref_slice %arg2[%add3A, %dma_start3A_11, %dma_start3A_12] : memref<32x20x80xi32, #tpu.memory_space<hbm>> -> memref<1x20x80xi32, #tpu.memory_space<hbm>>
      %dma_start3A_14 = tpu.memref_squeeze %dma_start3A_13 : memref<1x20x80xi32, #tpu.memory_space<hbm>> -> memref<20x80xi32, #tpu.memory_space<hbm>>
      tpu.enqueue_dma source(%dma_start3A_14 : memref<20x80xi32, #tpu.memory_space<hbm>>) target(%arg5 : memref<20x80xi32, #tpu.memory_space<vmem>>) target_semaphore(%run_scoped3A : memref<!tpu.dma_semaphore, #tpu.memory_space<semaphore_mem>>)
      %dma_wait3A = arith.constant 0 : i32
      %dma_wait3A_15 = arith.constant 0 : i32
      %dma_wait3A_16 = tpu.memref_slice %arg2[%add3A, %dma_wait3A, %dma_wait3A_15] : memref<32x20x80xi32, #tpu.memory_space<hbm>> -> memref<1x20x80xi32, #tpu.memory_space<hbm>>
      %dma_wait3A_17 = tpu.memref_squeeze %dma_wait3A_16 : memref<1x20x80xi32, #tpu.memory_space<hbm>> -> memref<20x80xi32, #tpu.memory_space<hbm>>
      %dma_wait3A_18 = arith.constant 0 : i32
      %dma_wait3A_19 = arith.constant 0 : i32
      %dma_wait3A_20 = tpu.memref_slice %arg2[%add3A, %dma_wait3A_18, %dma_wait3A_19] : memref<32x20x80xi32, #tpu.memory_space<hbm>> -> memref<1x20x80xi32, #tpu.memory_space<hbm>>
      %dma_wait3A_21 = tpu.memref_squeeze %dma_wait3A_20 : memref<1x20x80xi32, #tpu.memory_space<hbm>> -> memref<20x80xi32, #tpu.memory_space<hbm>>
      tpu.wait_dma2 semaphore(%run_scoped3A : memref<!tpu.dma_semaphore, #tpu.memory_space<semaphore_mem>>) src(%dma_wait3A_21 : memref<20x80xi32, #tpu.memory_space<hbm>>) dst(%arg5 : memref<20x80xi32, #tpu.memory_space<vmem>>)
      tpu.yield
    }) : () -> ()
    %barrier3A = arith.constant 0 : index
    tpu.barrier barrier_id(%barrier3A)
    %scan3A = arith.constant 0 : i32
    %scan3A_3 = arith.constant 0 : i32
    %scan3A_4 = arith.constant 20 : i32
    %scan3A_5 = arith.addi %scan3A_3, %scan3A_4 : i32
    %scan3A_6 = arith.constant 1 : i32
    scf.for %scan3A_8 = %scan3A_3 to %scan3A_5 step %scan3A_6  : i32 {
      %dma_start3A = arith.constant 0 : i32
      %dma_start3A_9 = tpu.memref_slice %arg5[%scan3A_8, %dma_start3A] : memref<20x80xi32, #tpu.memory_space<vmem>> -> memref<1x80xi32, #tpu.memory_space<vmem>>
      %dma_start3A_10 = tpu.memref_squeeze %dma_start3A_9 : memref<1x80xi32, #tpu.memory_space<vmem>> -> memref<80xi32, #tpu.memory_space<vmem>>
      %dma_start3A_11 = arith.constant 0 : i32
      %dma_start3A_12 = arith.constant 0 : i32
      %dma_start3A_13 = tpu.memref_slice %arg7[%dma_start3A_11, %dma_start3A_12] : memref<1000x128xf32, #tpu.memory_space<vmem_shared>> -> memref<1000x128xf32, #tpu.memory_space<vmem_shared>>
      tpu.enqueue_indirect_dma source(%dma_start3A_13 : memref<1000x128xf32, #tpu.memory_space<vmem_shared>>) target(%arg6 : memref<80x128xf32, #tpu.memory_space<vmem>>) offsets(%dma_start3A_10 : memref<80xi32, #tpu.memory_space<vmem>>) semaphore(%arg8 : memref<!tpu.dma_semaphore, #tpu.memory_space<semaphore_mem>>)
      %dma_wait3A = arith.constant 0 : i32
      %dma_wait3A_14 = tpu.memref_slice %arg5[%scan3A_8, %dma_wait3A] : memref<20x80xi32, #tpu.memory_space<vmem>> -> memref<1x80xi32, #tpu.memory_space<vmem>>
      %dma_wait3A_15 = tpu.memref_squeeze %dma_wait3A_14 : memref<1x80xi32, #tpu.memory_space<vmem>> -> memref<80xi32, #tpu.memory_space<vmem>>
      %dma_wait3A_16 = arith.constant 0 : i32
      %dma_wait3A_17 = arith.constant 0 : i32
      %dma_wait3A_18 = tpu.memref_slice %arg7[%dma_wait3A_16, %dma_wait3A_17] : memref<1000x128xf32, #tpu.memory_space<vmem_shared>> -> memref<1000x128xf32, #tpu.memory_space<vmem_shared>>
      tpu.wait_indirect_dma semaphore(%arg8 : memref<!tpu.dma_semaphore, #tpu.memory_space<semaphore_mem>>) src(%dma_wait3A_18 : memref<1000x128xf32, #tpu.memory_space<vmem_shared>>) dst(%arg6 : memref<80x128xf32, #tpu.memory_space<vmem>>)
      "tpu.region"() ({
        %run_scoped3A = tpu.sem_alloc : memref<!tpu.dma_semaphore, #tpu.memory_space<semaphore_mem>>
        %dma_start3A_19 = arith.constant 0 : i32
        %dma_start3A_20 = arith.constant 0 : i32
        %dma_start3A_21 = tpu.memref_slice %arg4[%add3A, %scan3A_8, %dma_start3A_19, %dma_start3A_20] : memref<32x20x80x128xf32, #tpu.memory_space<hbm>> -> memref<1x1x80x128xf32, #tpu.memory_space<hbm>>
        %dma_start3A_22 = tpu.memref_squeeze %dma_start3A_21 : memref<1x1x80x128xf32, #tpu.memory_space<hbm>> -> memref<80x128xf32, #tpu.memory_space<hbm>>
        %dma_start3A_23 = arith.constant 0 : i32
        %dma_start3A_24 = arith.constant 0 : i32
        %dma_start3A_25 = tpu.memref_slice %arg4[%add3A, %scan3A_8, %dma_start3A_23, %dma_start3A_24] : memref<32x20x80x128xf32, #tpu.memory_space<hbm>> -> memref<1x1x80x128xf32, #tpu.memory_space<hbm>>
        %dma_start3A_26 = tpu.memref_squeeze %dma_start3A_25 : memref<1x1x80x128xf32, #tpu.memory_space<hbm>> -> memref<80x128xf32, #tpu.memory_space<hbm>>
        tpu.enqueue_dma source(%arg6 : memref<80x128xf32, #tpu.memory_space<vmem>>) target(%dma_start3A_26 : memref<80x128xf32, #tpu.memory_space<hbm>>) target_semaphore(%run_scoped3A : memref<!tpu.dma_semaphore, #tpu.memory_space<semaphore_mem>>)
        %dma_wait3A_27 = arith.constant 0 : i32
        %dma_wait3A_28 = arith.constant 0 : i32
        %dma_wait3A_29 = tpu.memref_slice %arg4[%add3A, %scan3A_8, %dma_wait3A_27, %dma_wait3A_28] : memref<32x20x80x128xf32, #tpu.memory_space<hbm>> -> memref<1x1x80x128xf32, #tpu.memory_space<hbm>>
        %dma_wait3A_30 = tpu.memref_squeeze %dma_wait3A_29 : memref<1x1x80x128xf32, #tpu.memory_space<hbm>> -> memref<80x128xf32, #tpu.memory_space<hbm>>
        %dma_wait3A_31 = arith.constant 0 : i32
        %dma_wait3A_32 = arith.constant 0 : i32
        %dma_wait3A_33 = tpu.memref_slice %arg4[%add3A, %scan3A_8, %dma_wait3A_31, %dma_wait3A_32] : memref<32x20x80x128xf32, #tpu.memory_space<hbm>> -> memref<1x1x80x128xf32, #tpu.memory_space<hbm>>
        %dma_wait3A_34 = tpu.memref_squeeze %dma_wait3A_33 : memref<1x1x80x128xf32, #tpu.memory_space<hbm>> -> memref<80x128xf32, #tpu.memory_space<hbm>>
        tpu.wait_dma2 semaphore(%run_scoped3A : memref<!tpu.dma_semaphore, #tpu.memory_space<semaphore_mem>>) src(%arg6 : memref<80x128xf32, #tpu.memory_space<vmem>>) dst(%dma_wait3A_34 : memref<80x128xf32, #tpu.memory_space<hbm>>)
        tpu.yield
      }) : () -> ()
    }
    %scan3A_7 = arith.constant 20 : i32
    return
  }
}

module attributes {stable_mosaic.version = 14 : i64} {
  func.func @_logits_body(%arg0: i32, %arg1: memref<1x1000x1024xf32, #tpu.memory_space<vmem>>) attributes {dimension_semantics = [#tpu.dimension_semantics<arbitrary>], iteration_bounds = array<i64: 50>, scalar_prefetch = 0 : i64, scratch_operands = 0 : i64, tpu.core_type = #tpu.core_type<tc>, window_params = [{transform_indices = @transform_0, window_bounds = array<i64: 1, 1000, 1024>}]} {
    %mul3A = arith.constant 1 : i32
    %mul3A_0 = arith.muli %arg0, %mul3A : i32
    %broadcast_in_dim3A = arith.constant -1.000000e+09 : f32
    %broadcast_in_dim3A_1 = vector.broadcast %broadcast_in_dim3A : f32 to vector<1x1000x1024xf32>
    %swap3A = arith.constant 0 : index
    %swap3A_2 = arith.constant 0 : index
    %swap3A_3 = arith.constant 0 : index
    %swap3A_4 = vector.load %arg1[%swap3A, %swap3A_2, %swap3A_3] : memref<1x1000x1024xf32, #tpu.memory_space<vmem>>, vector<1x1000x1024xf32>
    tpu.vector_store %arg1[%swap3A, %swap3A_2, %swap3A_3], %broadcast_in_dim3A_1 {strides = array<i32>} : memref<1x1000x1024xf32, #tpu.memory_space<vmem>>, vector<1x1000x1024xf32>,
    %add3A = arith.constant 0 : i32
    %add3A_5 = arith.addi %mul3A_0, %add3A : i32
    %rem3A = arith.constant 8 : i32
    %rem3A_6 = arith.remsi %add3A_5, %rem3A : i32
    %eq3A = arith.constant 1 : i32
    %eq3A_7 = arith.cmpi eq, %rem3A_6, %eq3A : i32
    %jit3A = arith.constant 5 : i32
    %jit3A_8 = arith.constant 3 : i32
    %select_n3A = arith.select %eq3A_7, %jit3A, %jit3A_8 : i32
    %eq3A_9 = arith.constant 2 : i32
    %eq3A_10 = arith.cmpi eq, %rem3A_6, %eq3A_9 : i32
    %jit3A_11 = arith.constant 7 : i32
    %select_n3A_12 = arith.select %eq3A_10, %jit3A_11, %select_n3A : i32
    %eq3A_13 = arith.constant 3 : i32
    %eq3A_14 = arith.cmpi eq, %rem3A_6, %eq3A_13 : i32
    %jit3A_15 = arith.constant 1 : i32
    %select_n3A_16 = arith.select %eq3A_14, %jit3A_15, %select_n3A_12 : i32
    %eq3A_17 = arith.constant 4 : i32
    %eq3A_18 = arith.cmpi eq, %rem3A_6, %eq3A_17 : i32
    %jit3A_19 = arith.constant 4 : i32
    %select_n3A_20 = arith.select %eq3A_18, %jit3A_19, %select_n3A_16 : i32
    %eq3A_21 = arith.constant 5 : i32
    %eq3A_22 = arith.cmpi eq, %rem3A_6, %eq3A_21 : i32
    %jit3A_23 = arith.constant 2 : i32
    %select_n3A_24 = arith.select %eq3A_22, %jit3A_23, %select_n3A_20 : i32
    %eq3A_25 = arith.constant 6 : i32
    %eq3A_26 = arith.cmpi eq, %rem3A_6, %eq3A_25 : i32
    %jit3A_27 = arith.constant 6 : i32
    %select_n3A_28 = arith.select %eq3A_26, %jit3A_27, %select_n3A_24 : i32
    %eq3A_29 = arith.constant 7 : i32
    %eq3A_30 = arith.cmpi eq, %rem3A_6, %eq3A_29 : i32
    %jit3A_31 = arith.constant 0 : i32
    %select_n3A_32 = arith.select %eq3A_30, %jit3A_31, %select_n3A_28 : i32
    %broadcast_in_dim3A_33 = arith.constant 1.000000e+00 : f32
    %broadcast_in_dim3A_34 = vector.broadcast %broadcast_in_dim3A_33 : f32 to vector<1x1024xf32>
    %swap3A_35 = arith.constant 0 : index
    %swap3A_36 = arith.index_cast %select_n3A_32 : i32 to index
    %swap3A_37 = arith.constant 0 : index
    %swap3A_38 = vector.load %arg1[%swap3A_35, %swap3A_36, %swap3A_37] : memref<1x1000x1024xf32, #tpu.memory_space<vmem>>, vector<1x1x1024xf32>
    %swap3A_39 = vector.shape_cast %swap3A_38 : vector<1x1x1024xf32> to vector<1x1024xf32>
    %swap3A_40 = vector.shape_cast %broadcast_in_dim3A_34 : vector<1x1024xf32> to vector<1x1x1024xf32>
    tpu.vector_store %arg1[%swap3A_35, %swap3A_36, %swap3A_37], %swap3A_40 {strides = array<i32>} : memref<1x1000x1024xf32, #tpu.memory_space<vmem>>, vector<1x1x1024xf32>,
    return
  }
  func.func @transform_0(%arg0: i32) -> (i32, i32, i32) {
    %c0_i32 = arith.constant 0 : i32
    %c0_i32_0 = arith.constant 0 : i32
    %c0_i32_1 = arith.constant 0 : i32
    return %arg0, %c0_i32, %c0_i32_0 : i32, i32, i32
  }
}

</mosaic_0001>

<sc_bundles>
// kernel: kernel.4.cloned.1.call-start
scs
__scs_entry_jumppad:
0x0: {  	(pc) =	sbr.rel $0x88, $3  }
0x1: {  	(tag) =	ssettag $0x0;
	lr =	simm.s32 $0x1  }
0x2: {  	[smem:$0x3F9F] =	sst lr;
	_ =	strace $0xD0000000  }
0x3: {  	_ = 	snop  }
0x4: {  	_ = 	snop  }
0x5: {  	_ = 	snop  }
0x6: {  	_ = 	snop  }
0x7: {  	_ = 	snop  }
__scs_overlays_trampoline_lowered:
0x8: {  	[smem:$0x3FAE] =	sst s0  }
0x9: {  	[smem:$0x3FAF] =	sst s1  }
0xa: {  	[smem:$0x3FB0] =	sst s2  }
0xb: {  	[smem:$0x3FB1] =	sst s3  }
0xc: {  	[smem:$0x3FB2] =	sst s4  }
0xd: {  	[smem:$0x3FB3] =	sst s5  }
0xe: {  	[smem:$0x3FB4] =	sst s6  }
0xf: {  	[smem:$0x3FB5] =	sst s7  }
0x10: {  	[smem:$0x3FB6] =	sst s8  }
0x11: {  	[smem:$0x3FB7] =	sst s9;
	s0 =	simm.s32 @!p0 $0x0  }
0x12: {  	s1 =	sld [smem:$0x3F9D];
	s0 =	simm.s32 @p0 $0x1  }
0x13: {  	[smem:$0x3FB8] =	sst s0;
	s0 =	simm.s32 @!p1 $0x0  }
0x14: {  	s2 =	sld [smem:$0x3F9C];
	s0 =	simm.s32 @p1 $0x1  }
0x15: {  	[smem:$0x3FB9] =	sst s0;
	s0 =	simm.s32 @!p2 $0x0  }
0x16: {  	s3 =	sld [smem:$0x3FDB];
	s0 =	simm.s32 @p2 $0x1  }
0x17: {  	s4 =	simm.s32 $0x1BF5;
	[smem:$0x3FBB] =	sst s0  }
0x18: {  	s0 =	sld [smem:$0x3F9E];
	_ =	swait.ge [sflag:s4], $0x0  }
0x19: {  	s7 =	sld [smem:$0x3F9F]  }
0x1a: {  	s8 =	sadd.s32 $0xFFFFE003, lr  }
0x1b: {  	s9 =	sadd.s32 $0xFFFFFEF7, lr;
	s5 =	simm.s32 $0xFFFFFFFF;
	p2 =	slt.u32 s8, $0xFFFFF086  }
0x1c: {  	p1 =	slt.u32 s9, $0xF7A;
	s5 =	simm.s32 @!p2 $0x0  }
0x1d: {  	s5 =	simm.s32 @p1 $0x1;
	p0 =	seq.s32 s7, s2  }
0x1e: {  	s7 =	smul.u32 @!p0 $0xF7A, s2;
	p2 =	seq.s32 @!p0 s5, $0x0  }
0x1f: {  	s9 =	smul.u32 $0xF7A, s1;
	s8 =	simm.s32 @!p0 $0x1BF5;
	p2 =	por !p2, p0  }
0x20: {  	[sflag:s8] =	ssyncset.s32 @!p0 $0xFFFFF086;
	s6 =	sadd.s32 @!p0 s3, s7;
	s7 =	simm.s32 @!p0 $0x108  }
0x21: {  	s3 =	sadd.s32 s3, s9;
	s6 =	sadd.s32 @!p0 $0x88, s6;
	s7 =	simm.s32 @p2 $0x1082  }
0x22: {  	[simem:s7], [sflag:s8] =	dma.local @!p0 [hbm:s6], $0xF7A  }
0x23: {  	s9 =	sor.u32 $0xD0000000, s2;
	s6 =	simm.s32 $0x108;
	_ =	swait.ge @!p0 [sflag:s8], $0x0  }
0x24: {  	s3 =	sadd.s32 $0x88, s3;
	s6 =	simm.s32 @!p1 $0x1082;
	[sflag:s4] =	ssyncset.s32 $0xFFFFF086  }
0x25: {  	[simem:s6], [sflag:s4] =	dma.local [hbm:s3], $0xF7A  }
0x26: {  	[smem:$0x3F9F] =	sst s1;
	(tag) =	ssettag s2;
	_ =	strace s9  }
0x27: {  	s1 =	sld [smem:$0x3FAF]  }
0x28: {  	s2 =	sld [smem:$0x3FB0]  }
0x29: {  	s4 =	sld [smem:$0x3FB2]  }
0x2a: {  	p0 =	seq.s32 s5, $0x0;
	s5 =	sld [smem:$0x3FB3]  }
0x2b: {  	s6 =	sld [smem:$0x3FB4]  }
0x2c: {  	s7 =	sld [smem:$0x3FB5]  }
0x2d: {  	s3 =	simm.s32 $0x108;
	s8 =	sld [smem:$0x3FB6]  }
0x2e: {  	s3 =	simm.s32 @!p0 $0x1082;
	s9 =	sld [smem:$0x3FB7]  }
0x2f: {  	lr =	sadd.s32 s0, s3;
	s0 =	sld [smem:$0x3FAE]  }
0x30: {  	s3 =	sld [smem:$0x3FB1]  }
0x31: {  	[smem:$0x3FBA] =	sst s10  }
0x32: {  	s10 =	sld [smem:$0x3FB8];
	_ =	sdelay $0x3  }
0x33: {  	p0 =	seq.s32 s10, $0x1;
	s10 =	sld [smem:$0x3FBA];
	_ =	sdelay $0x3  }
0x34: {  	[smem:$0x3FBA] =	sst s10  }
0x35: {  	s10 =	sld [smem:$0x3FB9];
	_ =	sdelay $0x3  }
0x36: {  	p1 =	seq.s32 s10, $0x1;
	s10 =	sld [smem:$0x3FBA];
	_ =	sdelay $0x3  }
0x37: {  	[smem:$0x3FBA] =	sst s10  }
0x38: {  	s10 =	sld [smem:$0x3FBB]  }
0x39: {  	_ = 	snop;
	(pc) =	sbr.ind lr, $3  }
0x3a: {  	_ = 	snop  }
0x3b: {  	_ = 	snop  }
0x3c: {  	p2 =	seq.s32 s10, $0x1;
	s10 =	sld [smem:$0x3FBA]  }
0x3d: {  	_ =	shalt  }
0x3e: {  	_ =	shalt  }
0x3f: {  	_ =	shalt  }
0x40: {  	_ =	shalt  }
0x41: {  	_ =	shalt  }
0x42: {  	_ =	shalt  }
0x43: {  	_ =	shalt  }
0x44: {  	_ =	shalt  }
0x45: {  	_ =	shalt  }
0x46: {  	_ =	shalt  }
0x47: {  	_ =	shalt  }
0x48: {  	_ =	shalt  }
0x49: {  	_ =	shalt  }
0x4a: {  	_ =	shalt  }
0x4b: {  	_ =	shalt  }
0x4c: {  	_ =	shalt  }
0x4d: {  	_ =	shalt  }
0x4e: {  	_ =	shalt  }
0x4f: {  	_ =	shalt  }
0x50: {  	_ =	shalt  }
0x51: {  	_ =	shalt  }
0x52: {  	_ =	shalt  }
0x53: {  	_ =	shalt  }
0x54: {  	_ =	shalt  }
0x55: {  	_ =	shalt  }
0x56: {  	_ =	shalt  }
0x57: {  	_ =	shalt  }
0x58: {  	_ =	shalt  }
0x59: {  	_ =	shalt  }
0x5a: {  	_ =	shalt  }
0x5b: {  	_ =	shalt  }
0x5c: {  	_ =	shalt  }
0x5d: {  	_ =	shalt  }
0x5e: {  	_ =	shalt  }
0x5f: {  	_ =	shalt  }
0x60: {  	_ =	shalt  }
0x61: {  	_ =	shalt  }
0x62: {  	_ =	shalt  }
0x63: {  	_ =	shalt  }
0x64: {  	_ =	shalt  }
0x65: {  	_ =	shalt  }
0x66: {  	_ =	shalt  }
0x67: {  	_ =	shalt  }
0x68: {  	_ =	shalt  }
0x69: {  	_ =	shalt  }
0x6a: {  	_ =	shalt  }
0x6b: {  	_ =	shalt  }
0x6c: {  	_ =	shalt  }
0x6d: {  	_ =	shalt  }
0x6e: {  	_ =	shalt  }
0x6f: {  	_ =	shalt  }
0x70: {  	_ =	shalt  }
0x71: {  	_ =	shalt  }
0x72: {  	_ =	shalt  }
0x73: {  	_ =	shalt  }
0x74: {  	_ =	shalt  }
0x75: {  	_ =	shalt  }
0x76: {  	_ =	shalt  }
0x77: {  	_ =	shalt  }
0x78: {  	_ =	shalt  }
0x79: {  	_ =	shalt  }
0x7a: {  	_ =	shalt  }
0x7b: {  	_ =	shalt  }
0x7c: {  	_ =	shalt  }
0x7d: {  	_ =	shalt  }
0x7e: {  	_ =	shalt  }
0x7f: {  	_ =	shalt  }
0x80: {  	_ =	shalt  }
0x81: {  	_ =	shalt  }
0x82: {  	_ =	shalt  }
0x83: {  	_ =	shalt  }
0x84: {  	_ =	shalt  }
0x85: {  	_ =	shalt  }
0x86: {  	_ =	shalt  }
0x87: {  	_ =	shalt  }
.Lfunc_end0:
.L_simem_size_0:
called_computation_lowered:
.L_overlay_start_0:
0x88: {  	s2 =	sld [smem:$0x3FD9]  }
0x89: {  	s3 =	sld [smem:$0x3FFE];
	_ =	sdelay $0x1  }
0x8a: {  	s1 =	srdreg.scid  }
0x8b: {  	s0 =	sand.u32 $0x1, s1  }
0x8c: {  	s14 =	sshll.u32 s0, $0xA;
	s2 =	sadd.s32 s3, s2  }
0x8d: {  	s2 =	sadd.s32 s2, s14  }
0x8e: {  	[smem:$0x3FC6] =	sst s2  }
0x8f: {  	_ = 	snop  }
0x90: {  	s2 =	sld [smem:$0x3FD0];
	_ =	sdelay $0x2  }
0x91: {  	s4 =	simm.s32 $0xA;
	s5 =	simm.s32 $0x10;
	s15 =	sld [smem:$0x3FC8]  }
0x92: {  	[smem:s5], [sflag:s4] =	dma.local [hbm:s2], $0x1  }
0x93: {  	_ =	swait.eq [sflag:s4], $0x1  }
0x94: {  	[sflag:s4] =	ssyncset.done $0x0  }
0x95: {  	[sflag:s4] =	ssyncadd.s32 $0xFFFFFFFF  }
0x96: {  	s16 =	sld [smem:$0x10];
	(tm) =	ssettm $0x1  }
0x97: {  	s17 =	sld [smem:$0x3FFB];
	_ =	sdelay $0x3  }
0x98: {  	_ =	strace s17  }
0x99: {  	s4 =	sld [smem:$0x3FFC];
	_ =	sdelay $0x3  }
0x9a: {  	_ =	strace s4  }
0x9b: {  	s4 =	sld [smem:$0x3FFD];
	_ =	sdelay $0x3  }
0x9c: {  	_ =	strace s4  }
0x9d: {  	_ =	strace $0x8FFFFFFF  }
0x9e: {  	s18 =	sld [smem:$0x3FDB];
	_ =	sdelay $0x1  }
0x9f: {  	s19 =	simm.s32 $_scs_section_size  }
0xa0: {  	s6 =	simm.s32 $_size__tile_overlayer_lowered;
	s7 =	simm.s32 $_tile_overlayer_lowered  }
0xa1: {  	s22 =	simm.s32 $0x1BFF;
	s21 =	sshll.u32 s7, $0x1;
	s4 =	sadd.s32 s19, s18  }
0xa2: {  	s8 =	simm.s32 $0x0;
	s20 =	sshll.u32 s6, $0x1;
	s6 =	sadd.s32 s21, s4  }
0xa3: {  	[timem:s8], [sflag:s22] =	dma.local [hbm:s6], s20  }
0xa4: {  	_ =	swait.ge [sflag:s22], s20  }
0xa5: {  	s5 =	ssub.s32 $0x0, s20;
	[sflag:s22] =	ssyncset.done $0x0  }
0xa6: {  	[sflag:s22] =	ssyncadd.s32 s5;
	_ =	sdelay $0x1  }
0xa7: {  	s23 =	simm.s32 $0x1B8B  }
0xa8: {  	_ =	swait.ge [sflag:s23], $0x1  }
0xa9: {  	[sflag:s23] =	ssyncset.done $0x0  }
0xaa: {  	s25 =	simm.s32 $0x1B8E;
	s24 =	sld [smem:$0x3FFE];
	[sflag:s23] =	ssyncadd.s32 $0xFFFFFFFF  }
0xab: {  	s26 =	simm.s32 $execute0_lowered;
	[smem:$0x3FD2] =	sst s25  }
0xac: {  	s6 =	sshll.u32 s26, $0x1;
	_ =	strace $0x80000046;
	[dreg:$0x1] =	wrdreg $0xFFFFFFFF  }
0xad: {  	s28 =	simm.s32 $_size_execute0_lowered;
	s4 =	sadd.s32 s4, s6;
	[dreg:$0x0] =	wrdreg $0x0  }
0xae: {  	s6 =	sshll.u32 s28, $0x1;
	[dreg:$0x2] =	wrdreg s4  }
0xaf: {  	[dreg:$0x3] =	wrdreg s6  }
0xb0: {  	[dreg:$0x4] =	wrdreg $0xC0  }
0xb1: {  	_ =	task [dreg:s8], $0x5FFFF  }
0xb2: {  	[dreg:$0x1] =	wrdreg $0xFFFFFFFF  }
0xb3: {  	[dreg:$0x0] =	wrdreg $0x60  }
0xb4: {  	[dreg:$0x2] =	wrdreg s24  }
0xb5: {  	[dreg:$0x3] =	wrdreg s15  }
0xb6: {  	[dreg:$0x4] =	wrdreg s16  }
0xb7: {  	[dreg:$0x5] =	wrdreg $0x34000  }
0xb8: {  	[dreg:$0x6] =	wrdreg $0x9  }
0xb9: {  	_ =	task.clear_ibuf [dreg:s8], $0x7FFFF;
	_ =	strace $0x90000046  }
0xba: {  	s29 =	simm.s32 $0x9;
	_ =	strace $0x80000048  }
0xbb: {  	_ =	swait.ge [sflag:s29], $0x1  }
0xbc: {  	[sflag:s29] =	ssyncadd.s32 $0xFFFFFFFF  }
0xbd: {  	_ =	strace $0x90000048  }
0xbe: {  	_ =	sfence  }
0xbf: {  	s30 =	sld [smem:$0x0];
	_ =	sdelay $0x2  }
0xc0: {  	s31 =	sshll.u32 s1, $0xD;
	s1 =	sshrl.u32 s1, $0x2  }
0xc1: {  	s3 =	sand.u32 $0x4000, s31;
	s1 =	sadd.s32 s1, s30  }
0xc2: {  	s0 =	sor.u32 s3, s0;
	s1 =	sshll.u32 s1, $0x11  }
0xc3: {  	s0 =	sor.u32 s1, s0  }
0xc4: {  	s0 =	sadd.s32 $0x8F2B, s0  }
0xc5: {  	[sflag:s0] =	ssyncadd.remote.s32 $0x1  }
0xc6: {  	_ =	sfence.sel $0xFFFF  }
0xc7: {  	[dreg:$0x0] =	wrdreg $0xFFFFFFFF;
	(pc) =	sbr.abs _section_cstart, $3  }
0xc8: {  	[dreg:$0x1] =	wrdreg $0xFFFFFFFF  }
0xc9: {  	_ =	task.clear_ibuf [dreg:s8], $0x2FFFF;
	_ =	strace $0x9FFFFFFF  }
0xca: {  	(tm) =	ssettm $0x7FFFFFFF  }
0xcb: {  	_ =	shalt  }
tec
execute0_lowered:
.L_overlay_start_1:
0x0: {  	(tag) =	ssettag $0x1  }
0x1: {  	s4 =	rddreg [dreg:$0x0]  }
0x2: {  	s1 =	srdreg.scid;
	s0 =	rddreg [dreg:$0x1]  }
0x3: {  	s7 =	stileid.u32;
	s6 =	rddreg [dreg:$0x2]  }
0x4: {  	s2 =	rddreg [dreg:$0x3];
	s3 =	simm.s32 $0x0;
	s11 =	simm.s32 $0x1  }
0x5: {  	s12 =	simm.s32 $0x0;
	s5 =	sand.u32 $0x1, s1;
	s29 =	sshll.u32 s7, $0x1  }
0x6: {  	s9 =	smul.u32 $0x64000, s7;
	[smem:$0x7FF] =	sst s3;
	p0 =	sne.s32 s7, $0x0  }
0x7: {  	s1 =	sor.u32 s5, s29;
	s10 =	smul.u32 $0x32000, s5;
	s5 =	ssub.s32 $0x2, s5  }
0x8: {  	s7 =	sshrl.u32 @!p0 s2, $0x3;
	s8 =	smul.u32 $0x180, s1;
	s1 =	rddreg [dreg:$0x4]  }
0x9: {  	_ =	strace $0x80000047;
	s30 =	sshrl.u32 s5, $0x1;
	s9 =	sadd.s32 s10, s9  }
0xa: {  	s5 =	ssub.s32 s5, s30;
	s10 =	simm.s32 $0xC00;
	s4 =	sadd.s32 s8, s4  }
0xb: {  	s31 =	sshrl.u32 s9, $0x3;
	s5 =	smax.u32 s5, $0x1;
	s8 =	simm.s32 $0x2  }
0xc: {  	s9 =	simm.s32 $0x50;
	s4 =	sadd.s32 $0x400, s4;
	s6 =	sadd.s32 s31, s6  }
.LBB2_1:
0xd: {  	s13 =	simm.s32 @!p0 $0x1C02  }
0xe: {  	[spmem:s7], [sflag:s13] =	dma.local @!p0 [hbm:s0], $0x3E80  }
0xf: {  	s13 =	simm.s32 @!p0 $0x2  }
0x10: {  	_ =	swait.ge @!p0 [sflag:s13], $0x3E80  }
0x11: {  	[sflag:s13] =	ssyncset.done @!p0 $0x0  }
0x12: {  	[sflag:s13] =	ssyncadd.s32 @!p0 $0xFFFFC180  }
0x13: {  	[tilespmem:s3], [sflag:$0x2] =	stream.linear.gather [hbm4b:s4+s3], $0xA00, $0x38;
	[tilespmem:$0x5340] =	vst v63  }
0x14: {  	_ =	swait.ge [sflag:s8], $0xA00  }
0x15: {  	[sflag:s8] =	ssyncset.done $0x0  }
0x16: {  	[sflag:s8] =	ssyncadd.s32 $0xFFFFF600  }
0x17: {  	s31 =	simm.s32 $0x0;
	[bflag:$0x0] =	sbarrier.arrive $0xFFFF  }
0x18: {  	[tilespmem:s10], [sflag:$0x1] =	stream.indirect.gather [spmem:s2], $0x80, s31, s9, $0xb8;
	[tilespmem:$0x5340] =	vst v63  }
0x19: {  	_ =	swait.ge [sflag:s11], $0x2800  }
0x1a: {  	[sflag:s11] =	ssyncset.done $0x0  }
0x1b: {  	[sflag:s11] =	ssyncadd.s32 $0xFFFFD800  }
0x1c: {  	[hbm4b:s6+s3] =	stream.linear.scatter [tilespmem:s10], [sflag:$0x2], $0x2800, $0x38;
	[tilespmem:$0x5340] =	vst v63  }
0x1d: {  	s14 =	simm.s32 $0x200;
	_ =	swait.ge [sflag:s8], $0x2800  }
0x1e: {  	s15 =	simm.s32 $0x400;
	s13 =	sadd.s32 $0x500, s6;
	[sflag:s8] =	ssyncset.done $0x0  }
.LBB2_2:
0x1f: {  	s16 =	sshra.s32 s14, $0x2  }
0x20: {  	[sflag:s8] =	ssyncadd.s32 $0xFFFFD800;
	s14 =	smov.u32 s15;
	s17 =	sadd.s32 $0x200, s15  }
0x21: {  	[tilespmem:s10], [sflag:$0x1] =	stream.indirect.gather [spmem:s2], $0x80, s16, s9, $0xb8;
	[tilespmem:$0x5340] =	vst v63  }
0x22: {  	p1 =	sne.s32 s15, $0x2600;
	_ =	swait.ge [sflag:s11], $0x2800  }
.Ltmp0:
0x23: {  	[sflag:s11] =	ssyncset.done $0x0;
	(pc) =	sbr.rel @p1 .LBB2_2-.Ltmp0, $4  }
0x24: {  	[sflag:s11] =	ssyncadd.s32 $0xFFFFD800  }
0x25: {  	[hbm4b:s13+s3] =	stream.linear.scatter [tilespmem:s10], [sflag:$0x2], $0x2800, $0x38;
	[tilespmem:$0x5340] =	vst v63  }
0x26: {  	_ =	swait.ge [sflag:s8], $0x2800  }
0x27: {  	s15 =	smov.u32 s17;
	s13 =	sadd.s32 $0x500, s13;
	[sflag:s8] =	ssyncset.done $0x0  }
0x28: {  	s14 =	sshra.s32 s14, $0x2;
	[sflag:s8] =	ssyncadd.s32 $0xFFFFD800  }
0x29: {  	[tilespmem:s10], [sflag:$0x1] =	stream.indirect.gather [spmem:s2], $0x80, s14, s9, $0xb8;
	[tilespmem:$0x5340] =	vst v63  }
0x2a: {  	s12 =	sadd.s32 $0x1, s12;
	_ =	swait.ge [sflag:s11], $0x2800  }
0x2b: {  	p1 =	sne.s32 s12, s5;
	[sflag:s11] =	ssyncset.done $0x0  }
.Ltmp1:
0x2c: {  	[sflag:s11] =	ssyncadd.s32 $0xFFFFD800;
	(pc) =	sbr.rel @p1 .LBB2_1-.Ltmp1, $4  }
0x2d: {  	[hbm4b:s13+s3] =	stream.linear.scatter [tilespmem:s10], [sflag:$0x2], $0x2800, $0x38;
	[tilespmem:$0x5340] =	vst v63  }
0x2e: {  	_ =	swait.ge [sflag:s8], $0x2800  }
0x2f: {  	[sflag:s8] =	ssyncset.done $0x0  }
0x30: {  	[sflag:s8] =	ssyncadd.s32 $0xFFFFD800  }
0x31: {  	_ =	sfence.sel $0x180000  }
0x32: {  	[bflag:$0x0] =	sbarrier.arrive $0xFFFF  }
0x33: {  	_ =	strace $0x90000047  }
0x34: {  	s0 =	sadd.s32 @!p0 $0x100000, s1;
	[bflag:$0x2] =	sbarrier.arrive $0xFFFF  }
0x35: {  	[sflag:s0] =	ssyncadd.tile.s32 @!p0 $0x1;
	_ =	shalt  }
.Lfunc_end2:
_tile_overlayer_lowered:
.L_overlay_start_2:
0x36: {  	(tag) =	ssettag $0x2  }
0x37: {  	s0 =	rddreg [dreg:$0x0];
	s2 =	stileid.u32  }
0x38: {  	s1 =	rddreg [dreg:$0x1];
	p0 =	sne.s32 s2, $0x0  }
0x39: {  	s3 =	rddreg [dreg:$0x2];
	[bflag:$0x3] =	sbarrier.arrive $0xFFFF;
	s2 =	simm.s32 @!p0 $0x1C02  }
0x3a: {  	[timem:s3], [sflag:s2] =	dma.local @!p0 [hbm:s0], s1  }
0x3b: {  	s0 =	simm.s32 @!p0 $0x2  }
0x3c: {  	_ =	swait.ge @!p0 [sflag:s0], s1  }
0x3d: {  	s1 =	ssub.s32 @!p0 $0x0, s1;
	[sflag:s0] =	ssyncset.done @!p0 $0x0  }
0x3e: {  	[sflag:s0] =	ssyncadd.s32 @!p0 s1  }
0x3f: {  	[bflag:$0x3] =	sbarrier.arrive $0xFFFF  }
0x40: {  	_ =	shalt  }

</sc_bundles>
